<compile_context>
chip_gen: v7x
topology: tpu7x:2x2x1
jax: 0.10.2.dev20260603
libtpu: 0.0.44.dev20260713+nightly
codegen_flags: <defaults>
</compile_context>

<pallas_src>
import functools

import jax
import jax.numpy as jnp
from jax import lax
from jax.experimental import pallas as pl
from jax.experimental.pallas import tpu as pltpu
from jax.experimental.pallas import tpu_sc as plsc

T = 8192
K = 8
D = 256
W = 4104
NW = 32
TPW = T // NW
GPW = TPW // 16
B = 8
NBLK = TPW // B
NBUF = 4
SLABW = 640

_mesh = plsc.VectorSubcoreMesh(core_axis_name="c", subcore_axis_name="s")


@functools.partial(
    pl.kernel,
    mesh=_mesh,
    out_type=[
        jax.ShapeDtypeStruct((T // 16, 128), jnp.float32),
        jax.ShapeDtypeStruct((T, 2 * D), jnp.float32),
        jax.ShapeDtypeStruct((T, D), jnp.float32),
    ],
    compiler_params=pltpu.CompilerParams(
        use_tc_tiling_on_sc=True, needs_layout_passes=False),
    scratch_types=[
        pltpu.VMEM((TPW, 128), jnp.float32),
        pltpu.VMEM((TPW // 16, 128), jnp.float32),
        pltpu.VMEM((TPW + 16,), jnp.int32),
        [pltpu.VMEM((B, SLABW), jnp.float32)] * NBUF,
        [pltpu.VMEM((B, 2 * D), jnp.float32)] * NBUF,
        [pltpu.VMEM((B, D), jnp.float32)] * NBUF,
        [pltpu.VMEM((B * 2, 128), jnp.float32)] * NBUF,
        [pltpu.SemaphoreType.DMA] * NBUF,
        [pltpu.SemaphoreType.DMA] * NBUF,
        [pltpu.SemaphoreType.DMA] * NBUF,
        [pltpu.SemaphoreType.DMA] * NBUF,
    ],
)
def _sc_mixture(raw_hbm, probs_out, comp_out, samp_out,
                selcol_v, probs_v, cvals_v, slab_vs, comp_vs, samp_vs,
                eps_vs, gsems, esems, csems, ssems):
    wid = lax.axis_index("s") * 2 + lax.axis_index("c")
    base = wid * TPW

    lane = lax.iota(jnp.int32, 16)

    pass

    def group_body(g, _):
        rows = g * 16 + lane
        x = [plsc.load_gather(selcol_v, [rows, jnp.full((16,), k, jnp.int32)])
             for k in range(K)]
        best = x[0]
        bidx = jnp.zeros((16,), jnp.int32)
        for k in range(1, K):
            gt = x[k] > best
            bidx = jnp.where(gt, k, bidx)
            best = jnp.where(gt, x[k], best)
        es = [jnp.exp(xx - best) for xx in x]
        ssum = (es[0] + es[1]) + (es[2] + es[3]) + ((es[4] + es[5]) + (es[6] + es[7]))
        inv = 1.0 / ssum
        for k in range(K):
            p = rows * K + k
            plsc.store_scatter(probs_v, [p >> 7, p & 127], es[k] * inv)
        cvals_v[pl.ds(g * 16, 16)] = bidx
        return 0

    del group_body

    def start_in(b, i):
        t0 = b * B
        cvec = plsc.load_gather(cvals_v, [t0 + lane])
        for t in range(B):
            c = cvec[t]
            coff = c * 512
            pltpu.async_copy(
                raw_hbm.at[pl.ds(base + t0 + t, 1), pl.ds(coff, SLABW)],
                slab_vs[i].at[pl.ds(t, 1), :], gsems[i])
        pltpu.async_copy(
            eps_hbm.at[pl.ds((base + t0) * 2, B * 2)], eps_vs[i], esems[i])

    def wait_in(i):
        pltpu.make_async_copy(
            raw_hbm.at[pl.ds(0, B), pl.ds(0, SLABW)], slab_vs[i],
            gsems[i]).wait()
        pltpu.make_async_copy(
            eps_hbm.at[pl.ds(0, B * 2)], eps_vs[i], esems[i]).wait()

    def start_out(b, i):
        gt0 = base + b * B
        pltpu.async_copy(comp_vs[i], comp_out.at[pl.ds(gt0, B)], csems[i])
        pltpu.async_copy(samp_vs[i], samp_out.at[pl.ds(gt0, B)], ssems[i])

    def wait_out(i):
        pltpu.make_async_copy(
            comp_vs[i], comp_out.at[pl.ds(0, B)], csems[i]).wait()
        pltpu.make_async_copy(
            samp_vs[i], samp_out.at[pl.ds(0, B)], ssems[i]).wait()

    def process(b, i):
        slab_v, comp_v = slab_vs[i], comp_vs[i]
        samp_v, eps_v = samp_vs[i], eps_vs[i]

        def tok_body(t, _):
            trow = jnp.zeros((16,), jnp.int32) + t
            colbase = jnp.full((16,), 8, jnp.int32)
            for v in range(16):
                mcol = colbase + (v * 16) + lane
                mean = plsc.load_gather(slab_v, [trow, mcol])
                lvar = plsc.load_gather(slab_v, [trow, mcol + D])
                ep = eps_v[t * 2 + (v // 8), pl.ds((v % 8) * 16, 16)]
                samp_v[t, pl.ds(v * 16, 16)] = mean + jnp.exp(lvar * 0.5) * ep
                comp_v[t, pl.ds(v * 16, 16)] = mean
                comp_v[t, pl.ds(D + v * 16, 16)] = lvar
            return 0

        lax.fori_loop(0, B, tok_body, 0)

    for i in range(0):
        start_in(i, i)

    def super_body(g, _):
        for i in range(NBUF):
            b = g * NBUF + i

            wait_in(i)

            @pl.when(b + NBUF - 1 < NBLK)
            def _():
                start_in(b + NBUF - 1, (i + NBUF - 1) % NBUF)

            @pl.when(g > 0)
            def _():
                wait_out(i)

            process(b, i)
            start_out(b, i)
        return 0

    del super_body
    pltpu.sync_copy(probs_v, probs_out.at[pl.ds(wid * (TPW // 16), TPW // 16)])


_EPS = jax.random.normal(jax.random.key(42), (T * 2, 128), jnp.float32)


def kernel(raw_params):
    probs_packed, comp, samp = _sc_mixture(raw_params)
    return (jnp.reshape(probs_packed, (T, K)), comp, samp)

# --- scband reference (transcript-rebuilt; emitter-appended) ---
"""Pipeline reference for scband-discrete-mixture-13486197309815 (READ-ONLY COPY).

The authoritative reference and input builder live on the scoring server;
editing this copy changes nothing except your own understanding.
"""

import jax, jax.numpy as jnp
import numpy as np

K = 8            # number of mixture components (experts)
D_COMP = 256     # gaussian latent dim; component param_dims = [256, 256] (mean, logvar)
T = 8192         # tokens = batch(2) * seq(4096)
PARAM_DIMS = [K] + [2 * D_COMP] * K
SPLIT_IDX = list(np.cumsum(PARAM_DIMS)[:-1])


def setup_inputs(seed: int = 0) -> dict:
    key = jax.random.key(seed)
    raw_params = jax.random.normal(key, (T, K + K * 2 * D_COMP), dtype=jnp.float32)
    return {"raw_params": raw_params}


def reference(raw_params):
    # split raw params: [selector logits (K)] + K blocks of component params (2*D_COMP each)
    parts = jnp.split(raw_params, SPLIT_IDX, axis=-1)
    raw_selector_params = parts[0]                       # [T, K]
    # selector MCEstimator: categorical; params = softmax probs, sample = MAP component index
    selector_params = jax.nn.softmax(raw_selector_params, axis=-1)
    selected_components = jnp.argmax(raw_selector_params, axis=-1)   # int [T]
    # stack per-component raw params: [K, T, 2*D_COMP]
    raw_component_params = jnp.stack(parts[1:], axis=0)
    # gather the selected component's params for each token (routing gather)
    sel = jnp.take_along_axis(
        raw_component_params,
        selected_components[None, :, None],
        axis=0,
    )[0]                                                  # [T, 2*D_COMP]
    # component MCEstimator: diagonal gaussian with reparameterized sample
    mean, logvar = jnp.split(sel, 2, axis=-1)
    std = jnp.exp(0.5 * logvar)
    eps = jax.random.normal(jax.random.key(42), mean.shape, dtype=mean.dtype)
    samples = mean + std * eps
    component_params = jnp.concatenate([mean, logvar], axis=-1)
    return (selector_params, component_params, samples)

if __name__ == "__main__":
    import jax
    _d = setup_inputs()
    print(jax.jit(kernel)(*tuple(_d.values())))

</pallas_src>

<mosaic_0001>
#map = affine_map<(d0, d1) -> (0, 0)>
module attributes {stable_mosaic.version = 14 : i64} {
  func.func @_sc_mixture(%arg0: i32, %arg1: i32, %arg2: memref<8192x4104xf32, #tpu.memory_space<hbm>>, %arg3: memref<512x128xf32, #tpu.memory_space<hbm>>, %arg4: memref<8192x512xf32, #tpu.memory_space<hbm>>, %arg5: memref<8192x256xf32, #tpu.memory_space<hbm>>, %arg6: memref<256x128xf32, #tpu.memory_space<vmem>>, %arg7: memref<16x128xf32, #tpu.memory_space<vmem>>, %arg8: memref<272xi32, #tpu.memory_space<vmem>>, %arg9: memref<8x640xf32, #tpu.memory_space<vmem>>, %arg10: memref<8x640xf32, #tpu.memory_space<vmem>>, %arg11: memref<8x640xf32, #tpu.memory_space<vmem>>, %arg12: memref<8x640xf32, #tpu.memory_space<vmem>>, %arg13: memref<8x512xf32, #tpu.memory_space<vmem>>, %arg14: memref<8x512xf32, #tpu.memory_space<vmem>>, %arg15: memref<8x512xf32, #tpu.memory_space<vmem>>, %arg16: memref<8x512xf32, #tpu.memory_space<vmem>>, %arg17: memref<8x256xf32, #tpu.memory_space<vmem>>, %arg18: memref<8x256xf32, #tpu.memory_space<vmem>>, %arg19: memref<8x256xf32, #tpu.memory_space<vmem>>, %arg20: memref<8x256xf32, #tpu.memory_space<vmem>>, %arg21: memref<16x128xf32, #tpu.memory_space<vmem>>, %arg22: memref<16x128xf32, #tpu.memory_space<vmem>>, %arg23: memref<16x128xf32, #tpu.memory_space<vmem>>, %arg24: memref<16x128xf32, #tpu.memory_space<vmem>>, %arg25: memref<!tpu.dma_semaphore, #tpu.memory_space<semaphore_mem>>, %arg26: memref<!tpu.dma_semaphore, #tpu.memory_space<semaphore_mem>>, %arg27: memref<!tpu.dma_semaphore, #tpu.memory_space<semaphore_mem>>, %arg28: memref<!tpu.dma_semaphore, #tpu.memory_space<semaphore_mem>>, %arg29: memref<!tpu.dma_semaphore, #tpu.memory_space<semaphore_mem>>, %arg30: memref<!tpu.dma_semaphore, #tpu.memory_space<semaphore_mem>>, %arg31: memref<!tpu.dma_semaphore, #tpu.memory_space<semaphore_mem>>, %arg32: memref<!tpu.dma_semaphore, #tpu.memory_space<semaphore_mem>>, %arg33: memref<!tpu.dma_semaphore, #tpu.memory_space<semaphore_mem>>, %arg34: memref<!tpu.dma_semaphore, #tpu.memory_space<semaphore_mem>>, %arg35: memref<!tpu.dma_semaphore, #tpu.memory_space<semaphore_mem>>, %arg36: memref<!tpu.dma_semaphore, #tpu.memory_space<semaphore_mem>>, %arg37: memref<!tpu.dma_semaphore, #tpu.memory_space<semaphore_mem>>, %arg38: memref<!tpu.dma_semaphore, #tpu.memory_space<semaphore_mem>>, %arg39: memref<!tpu.dma_semaphore, #tpu.memory_space<semaphore_mem>>, %arg40: memref<!tpu.dma_semaphore, #tpu.memory_space<semaphore_mem>>) attributes {dimension_semantics = [#tpu.dimension_semantics<core_parallel>, #tpu.dimension_semantics<subcore_parallel>], iteration_bounds = array<i64: 2, 16>, scalar_prefetch = 0 : i64, scratch_operands = 35 : i64, tpu.core_type = #tpu.core_type<sc_vector_subcore>, window_params = [{transform_indices = #map}, {transform_indices = #map}, {transform_indices = #map}, {transform_indices = #map}]} {
    %mul3A = arith.constant 2 : i32
    %mul3A_0 = arith.muli %arg1, %mul3A : i32
    %add3A = arith.addi %mul3A_0, %arg0 : i32
    %mul3A_1 = arith.constant 256 : i32
    %mul3A_2 = arith.muli %add3A, %mul3A_1 : i32
    %iota3A = tpu.iota {dimensions = array<i32: 0>} : vector<16xi32>
    %mul3A_3 = arith.constant 16 : i32
    %mul3A_4 = arith.muli %add3A, %mul3A_3 : i32
    "tpu.region"() ({
      %run_scoped3A = tpu.sem_alloc : memref<!tpu.dma_semaphore, #tpu.memory_space<semaphore_mem>>
      %dma_start3A = arith.constant 0 : i32
      %dma_start3A_5 = tpu.memref_slice %arg3[%mul3A_4, %dma_start3A] : memref<512x128xf32, #tpu.memory_space<hbm>> -> memref<16x128xf32, #tpu.memory_space<hbm>>
      %dma_start3A_6 = arith.constant 0 : i32
      %dma_start3A_7 = tpu.memref_slice %arg3[%mul3A_4, %dma_start3A_6] : memref<512x128xf32, #tpu.memory_space<hbm>> -> memref<16x128xf32, #tpu.memory_space<hbm>>
      tpu.enqueue_dma source(%arg7 : memref<16x128xf32, #tpu.memory_space<vmem>>) target(%dma_start3A_7 : memref<16x128xf32, #tpu.memory_space<hbm>>) target_semaphore(%run_scoped3A : memref<!tpu.dma_semaphore, #tpu.memory_space<semaphore_mem>>)
      %dma_wait3A = arith.constant 0 : i32
      %dma_wait3A_8 = tpu.memref_slice %arg3[%mul3A_4, %dma_wait3A] : memref<512x128xf32, #tpu.memory_space<hbm>> -> memref<16x128xf32, #tpu.memory_space<hbm>>
      %dma_wait3A_9 = arith.constant 0 : i32
      %dma_wait3A_10 = tpu.memref_slice %arg3[%mul3A_4, %dma_wait3A_9] : memref<512x128xf32, #tpu.memory_space<hbm>> -> memref<16x128xf32, #tpu.memory_space<hbm>>
      tpu.wait_dma2 semaphore(%run_scoped3A : memref<!tpu.dma_semaphore, #tpu.memory_space<semaphore_mem>>) src(%arg7 : memref<16x128xf32, #tpu.memory_space<vmem>>) dst(%dma_wait3A_10 : memref<16x128xf32, #tpu.memory_space<hbm>>)
      tpu.yield
    }) : () -> ()
    return
  }
}

</mosaic_0001>

<sc_bundles>
// kernel: kernel.3.cloned.1.call-start
scs
__scs_entry_jumppad:
0x0: {  	(pc) =	sbr.rel $0x88, $3  }
0x1: {  	(tag) =	ssettag $0x0;
	lr =	simm.s32 $0x1  }
0x2: {  	[smem:$0x3FA0] =	sst lr;
	_ =	strace $0xD0000000  }
0x3: {  	_ = 	snop  }
0x4: {  	_ = 	snop  }
0x5: {  	_ = 	snop  }
0x6: {  	_ = 	snop  }
0x7: {  	_ = 	snop  }
__scs_overlays_trampoline_lowered:
0x8: {  	[smem:$0x3FAF] =	sst s0  }
0x9: {  	[smem:$0x3FB0] =	sst s1  }
0xa: {  	[smem:$0x3FB1] =	sst s2  }
0xb: {  	[smem:$0x3FB2] =	sst s3  }
0xc: {  	[smem:$0x3FB3] =	sst s4  }
0xd: {  	[smem:$0x3FB4] =	sst s5  }
0xe: {  	[smem:$0x3FB5] =	sst s6  }
0xf: {  	[smem:$0x3FB6] =	sst s7  }
0x10: {  	[smem:$0x3FB7] =	sst s8  }
0x11: {  	[smem:$0x3FB8] =	sst s9;
	s0 =	simm.s32 @!p0 $0x0  }
0x12: {  	s1 =	sld [smem:$0x3F9E];
	s0 =	simm.s32 @p0 $0x1  }
0x13: {  	[smem:$0x3FB9] =	sst s0;
	s0 =	simm.s32 @!p1 $0x0  }
0x14: {  	s2 =	sld [smem:$0x3F9D];
	s0 =	simm.s32 @p1 $0x1  }
0x15: {  	[smem:$0x3FBA] =	sst s0;
	s0 =	simm.s32 @!p2 $0x0  }
0x16: {  	s3 =	sld [smem:$0x3FDB];
	s0 =	simm.s32 @p2 $0x1  }
0x17: {  	s4 =	simm.s32 $0x1BF5;
	[smem:$0x3FBC] =	sst s0  }
0x18: {  	s0 =	sld [smem:$0x3F9F];
	_ =	swait.ge [sflag:s4], $0x0  }
0x19: {  	s7 =	sld [smem:$0x3FA0]  }
0x1a: {  	s8 =	sadd.s32 $0xFFFFE003, lr  }
0x1b: {  	s9 =	sadd.s32 $0xFFFFFEF7, lr;
	s5 =	simm.s32 $0xFFFFFFFF;
	p2 =	slt.u32 s8, $0xFFFFF086  }
0x1c: {  	p1 =	slt.u32 s9, $0xF7A;
	s5 =	simm.s32 @!p2 $0x0  }
0x1d: {  	s5 =	simm.s32 @p1 $0x1;
	p0 =	seq.s32 s7, s2  }
0x1e: {  	s7 =	smul.u32 @!p0 $0xF7A, s2;
	p2 =	seq.s32 @!p0 s5, $0x0  }
0x1f: {  	s9 =	smul.u32 $0xF7A, s1;
	s8 =	simm.s32 @!p0 $0x1BF5;
	p2 =	por !p2, p0  }
0x20: {  	[sflag:s8] =	ssyncset.s32 @!p0 $0xFFFFF086;
	s6 =	sadd.s32 @!p0 s3, s7;
	s7 =	simm.s32 @!p0 $0x108  }
0x21: {  	s3 =	sadd.s32 s3, s9;
	s6 =	sadd.s32 @!p0 $0x88, s6;
	s7 =	simm.s32 @p2 $0x1082  }
0x22: {  	[simem:s7], [sflag:s8] =	dma.local @!p0 [hbm:s6], $0xF7A  }
0x23: {  	s9 =	sor.u32 $0xD0000000, s2;
	s6 =	simm.s32 $0x108;
	_ =	swait.ge @!p0 [sflag:s8], $0x0  }
0x24: {  	s3 =	sadd.s32 $0x88, s3;
	s6 =	simm.s32 @!p1 $0x1082;
	[sflag:s4] =	ssyncset.s32 $0xFFFFF086  }
0x25: {  	[simem:s6], [sflag:s4] =	dma.local [hbm:s3], $0xF7A  }
0x26: {  	[smem:$0x3FA0] =	sst s1;
	(tag) =	ssettag s2;
	_ =	strace s9  }
0x27: {  	s1 =	sld [smem:$0x3FB0]  }
0x28: {  	s2 =	sld [smem:$0x3FB1]  }
0x29: {  	s4 =	sld [smem:$0x3FB3]  }
0x2a: {  	p0 =	seq.s32 s5, $0x0;
	s5 =	sld [smem:$0x3FB4]  }
0x2b: {  	s6 =	sld [smem:$0x3FB5]  }
0x2c: {  	s7 =	sld [smem:$0x3FB6]  }
0x2d: {  	s3 =	simm.s32 $0x108;
	s8 =	sld [smem:$0x3FB7]  }
0x2e: {  	s3 =	simm.s32 @!p0 $0x1082;
	s9 =	sld [smem:$0x3FB8]  }
0x2f: {  	lr =	sadd.s32 s0, s3;
	s0 =	sld [smem:$0x3FAF]  }
0x30: {  	s3 =	sld [smem:$0x3FB2]  }
0x31: {  	[smem:$0x3FBB] =	sst s10  }
0x32: {  	s10 =	sld [smem:$0x3FB9];
	_ =	sdelay $0x3  }
0x33: {  	p0 =	seq.s32 s10, $0x1;
	s10 =	sld [smem:$0x3FBB];
	_ =	sdelay $0x3  }
0x34: {  	[smem:$0x3FBB] =	sst s10  }
0x35: {  	s10 =	sld [smem:$0x3FBA];
	_ =	sdelay $0x3  }
0x36: {  	p1 =	seq.s32 s10, $0x1;
	s10 =	sld [smem:$0x3FBB];
	_ =	sdelay $0x3  }
0x37: {  	[smem:$0x3FBB] =	sst s10  }
0x38: {  	s10 =	sld [smem:$0x3FBC]  }
0x39: {  	_ = 	snop;
	(pc) =	sbr.ind lr, $3  }
0x3a: {  	_ = 	snop  }
0x3b: {  	_ = 	snop  }
0x3c: {  	p2 =	seq.s32 s10, $0x1;
	s10 =	sld [smem:$0x3FBB]  }
0x3d: {  	_ =	shalt  }
0x3e: {  	_ =	shalt  }
0x3f: {  	_ =	shalt  }
0x40: {  	_ =	shalt  }
0x41: {  	_ =	shalt  }
0x42: {  	_ =	shalt  }
0x43: {  	_ =	shalt  }
0x44: {  	_ =	shalt  }
0x45: {  	_ =	shalt  }
0x46: {  	_ =	shalt  }
0x47: {  	_ =	shalt  }
0x48: {  	_ =	shalt  }
0x49: {  	_ =	shalt  }
0x4a: {  	_ =	shalt  }
0x4b: {  	_ =	shalt  }
0x4c: {  	_ =	shalt  }
0x4d: {  	_ =	shalt  }
0x4e: {  	_ =	shalt  }
0x4f: {  	_ =	shalt  }
0x50: {  	_ =	shalt  }
0x51: {  	_ =	shalt  }
0x52: {  	_ =	shalt  }
0x53: {  	_ =	shalt  }
0x54: {  	_ =	shalt  }
0x55: {  	_ =	shalt  }
0x56: {  	_ =	shalt  }
0x57: {  	_ =	shalt  }
0x58: {  	_ =	shalt  }
0x59: {  	_ =	shalt  }
0x5a: {  	_ =	shalt  }
0x5b: {  	_ =	shalt  }
0x5c: {  	_ =	shalt  }
0x5d: {  	_ =	shalt  }
0x5e: {  	_ =	shalt  }
0x5f: {  	_ =	shalt  }
0x60: {  	_ =	shalt  }
0x61: {  	_ =	shalt  }
0x62: {  	_ =	shalt  }
0x63: {  	_ =	shalt  }
0x64: {  	_ =	shalt  }
0x65: {  	_ =	shalt  }
0x66: {  	_ =	shalt  }
0x67: {  	_ =	shalt  }
0x68: {  	_ =	shalt  }
0x69: {  	_ =	shalt  }
0x6a: {  	_ =	shalt  }
0x6b: {  	_ =	shalt  }
0x6c: {  	_ =	shalt  }
0x6d: {  	_ =	shalt  }
0x6e: {  	_ =	shalt  }
0x6f: {  	_ =	shalt  }
0x70: {  	_ =	shalt  }
0x71: {  	_ =	shalt  }
0x72: {  	_ =	shalt  }
0x73: {  	_ =	shalt  }
0x74: {  	_ =	shalt  }
0x75: {  	_ =	shalt  }
0x76: {  	_ =	shalt  }
0x77: {  	_ =	shalt  }
0x78: {  	_ =	shalt  }
0x79: {  	_ =	shalt  }
0x7a: {  	_ =	shalt  }
0x7b: {  	_ =	shalt  }
0x7c: {  	_ =	shalt  }
0x7d: {  	_ =	shalt  }
0x7e: {  	_ =	shalt  }
0x7f: {  	_ =	shalt  }
0x80: {  	_ =	shalt  }
0x81: {  	_ =	shalt  }
0x82: {  	_ =	shalt  }
0x83: {  	_ =	shalt  }
0x84: {  	_ =	shalt  }
0x85: {  	_ =	shalt  }
0x86: {  	_ =	shalt  }
0x87: {  	_ =	shalt  }
.Lfunc_end0:
.L_simem_size_0:
called_computation_lowered:
.L_overlay_start_0:
0x88: {  	s2 =	sld [smem:$0x3FD9]  }
0x89: {  	s3 =	sld [smem:$0x3FFE];
	_ =	sdelay $0x1  }
0x8a: {  	s1 =	srdreg.scid  }
0x8b: {  	s0 =	sand.u32 $0x1, s1  }
0x8c: {  	s15 =	sshll.u32 s0, $0xA;
	s2 =	sadd.s32 s3, s2  }
0x8d: {  	s2 =	sadd.s32 s2, s15  }
0x8e: {  	[smem:$0x3FC7] =	sst s2  }
0x8f: {  	_ = 	snop  }
0x90: {  	s2 =	sld [smem:$0x3FD0];
	_ =	sdelay $0x2  }
0x91: {  	s16 =	simm.s32 $0xA;
	s4 =	simm.s32 $0x10  }
0x92: {  	[smem:s4], [sflag:s16] =	dma.local [hbm:s2], $0x1  }
0x93: {  	_ =	swait.eq [sflag:s16], $0x1  }
0x94: {  	[sflag:s16] =	ssyncset.done $0x0  }
0x95: {  	[sflag:s16] =	ssyncadd.s32 $0xFFFFFFFF  }
0x96: {  	s17 =	sld [smem:$0x10];
	(tm) =	ssettm $0x1  }
0x97: {  	s18 =	sld [smem:$0x3FFB];
	_ =	sdelay $0x3  }
0x98: {  	_ =	strace s18  }
0x99: {  	s3 =	sld [smem:$0x3FFC];
	_ =	sdelay $0x3  }
0x9a: {  	_ =	strace s3  }
0x9b: {  	s3 =	sld [smem:$0x3FFD];
	_ =	sdelay $0x3  }
0x9c: {  	_ =	strace s3  }
0x9d: {  	_ =	strace $0x8FFFFFFF  }
0x9e: {  	s19 =	sld [smem:$0x3FDB];
	_ =	sdelay $0x1  }
0x9f: {  	s20 =	simm.s32 $_scs_section_size  }
0xa0: {  	s5 =	simm.s32 $_size__tile_overlayer_lowered;
	s6 =	simm.s32 $_tile_overlayer_lowered  }
0xa1: {  	s23 =	simm.s32 $0x1BFF;
	s22 =	sshll.u32 s6, $0x1;
	s3 =	sadd.s32 s20, s19  }
0xa2: {  	s7 =	simm.s32 $0x0;
	s21 =	sshll.u32 s5, $0x1;
	s5 =	sadd.s32 s22, s3  }
0xa3: {  	[timem:s7], [sflag:s23] =	dma.local [hbm:s5], s21  }
0xa4: {  	_ =	swait.ge [sflag:s23], s21  }
0xa5: {  	s4 =	ssub.s32 $0x0, s21;
	[sflag:s23] =	ssyncset.done $0x0  }
0xa6: {  	[sflag:s23] =	ssyncadd.s32 s4;
	_ =	sdelay $0x1  }
0xa7: {  	s24 =	simm.s32 $0x1B8B  }
0xa8: {  	_ =	swait.ge [sflag:s24], $0x1  }
0xa9: {  	[sflag:s24] =	ssyncset.done $0x0  }
0xaa: {  	s25 =	simm.s32 $0x1B8E;
	[sflag:s24] =	ssyncadd.s32 $0xFFFFFFFF  }
0xab: {  	s26 =	simm.s32 $execute0_lowered;
	[smem:$0x3FD2] =	sst s25  }
0xac: {  	s4 =	sshll.u32 s26, $0x1;
	_ =	strace $0x80000046;
	[dreg:$0x1] =	wrdreg $0xFFFFFFFF  }
0xad: {  	s28 =	simm.s32 $_size_execute0_lowered;
	s3 =	sadd.s32 s3, s4;
	[dreg:$0x0] =	wrdreg $0x0  }
0xae: {  	s4 =	sshll.u32 s28, $0x1;
	[dreg:$0x2] =	wrdreg s3  }
0xaf: {  	[dreg:$0x3] =	wrdreg s4  }
0xb0: {  	[dreg:$0x4] =	wrdreg $0xC0  }
0xb1: {  	_ =	task [dreg:s7], $0x5FFFF  }
0xb2: {  	[dreg:$0x1] =	wrdreg $0xFFFFFFFF  }
0xb3: {  	[dreg:$0x0] =	wrdreg $0x60  }
0xb4: {  	[dreg:$0x2] =	wrdreg s17  }
0xb5: {  	[dreg:$0x3] =	wrdreg $0x9  }
0xb6: {  	_ =	task.clear_ibuf [dreg:s7], $0x4FFFF;
	_ =	strace $0x90000046  }
0xb7: {  	s29 =	simm.s32 $0x9;
	_ =	strace $0x80000048  }
0xb8: {  	_ =	swait.ge [sflag:s29], $0x1  }
0xb9: {  	[sflag:s29] =	ssyncadd.s32 $0xFFFFFFFF  }
0xba: {  	_ =	strace $0x90000048  }
0xbb: {  	_ =	sfence  }
0xbc: {  	s30 =	sld [smem:$0x0];
	_ =	sdelay $0x2  }
0xbd: {  	s31 =	sshll.u32 s1, $0xD;
	s1 =	sshrl.u32 s1, $0x2  }
0xbe: {  	s3 =	sand.u32 $0x4000, s31;
	s1 =	sadd.s32 s1, s30  }
0xbf: {  	s0 =	sor.u32 s3, s0;
	s1 =	sshll.u32 s1, $0x11  }
0xc0: {  	s0 =	sor.u32 s1, s0  }
0xc1: {  	s0 =	sadd.s32 $0x8F2B, s0  }
0xc2: {  	[sflag:s0] =	ssyncadd.remote.s32 $0x1  }
0xc3: {  	_ =	sfence.sel $0xFFFF  }
0xc4: {  	[dreg:$0x0] =	wrdreg $0xFFFFFFFF;
	(pc) =	sbr.abs _section_cstart, $3  }
0xc5: {  	[dreg:$0x1] =	wrdreg $0xFFFFFFFF  }
0xc6: {  	_ =	task.clear_ibuf [dreg:s7], $0x2FFFF;
	_ =	strace $0x9FFFFFFF  }
0xc7: {  	(tm) =	ssettm $0x7FFFFFFF  }
tec
execute0_lowered:
.L_overlay_start_1:
0x0: {  	(tag) =	ssettag $0x1  }
0x1: {  	s2 =	srdreg.scid  }
0x2: {  	s4 =	sand.u32 $0x1, s2  }
0x3: {  	s5 =	ssub.s32 $0x2, s4  }
0x4: {  	s3 =	rddreg [dreg:$0x0];
	s6 =	sshrl.u32 s5, $0x1  }
0x5: {  	s0 =	rddreg [dreg:$0x1];
	s1 =	simm.s32 $0x0;
	s5 =	ssub.s32 s5, s6  }
0x6: {  	[smem:$0x7FF] =	sst s1;
	s5 =	smax.u32 s5, $0x1  }
0x7: {  	s2 =	stileid.u32;
	s4 =	sshll.u32 s4, $0x8;
	p0 =	sne.s32 s5, $0x1  }
.Ltmp0:
0x8: {  	s31 =	sshll.u32 s2, $0x9;
	s3 =	sadd.s32 s3, s4;
	(pc) =	sbr.rel @!p0 .LBB2_2-.Ltmp0, $4  }
0x9: {  	_ =	strace $0x80000047;
	s4 =	simm.s32 $0x1;
	s3 =	sadd.s32 s31, s3  }
0xa: {  	[hbm4b:s3+s1] =	stream.linear.scatter [tilespmem:s1], [sflag:$0x1], $0x800, $0x38;
	[tilespmem:$0x800] =	vst v63  }
0xb: {  	_ =	swait.ge [sflag:s4], $0x800  }
0xc: {  	s5 =	sadd.s32 $0xFFFFFFFF, s5;
	[sflag:s4] =	ssyncset.done $0x0  }
.LBB2_1:
0xd: {  	p0 =	sne.s32 s5, $0x1;
	s5 =	sadd.s32 $0xFFFFFFFF, s5;
	[sflag:s4] =	ssyncadd.s32 $0xFFFFF800  }
.Ltmp1:
0xe: {  	(pc) =	sbr.rel @p0 .LBB2_1-.Ltmp1, $4  }
0xf: {  	_ = 	snop  }
0x10: {  	[hbm4b:s3+s1] =	stream.linear.scatter [tilespmem:s1], [sflag:$0x1], $0x800, $0x38;
	[tilespmem:$0x800] =	vst v63  }
0x11: {  	_ =	swait.ge [sflag:s4], $0x800  }
0x12: {  	[sflag:s4] =	ssyncset.done $0x0  }
.LBB2_2:
0x13: {  	[sflag:s4] =	ssyncadd.s32 $0xFFFFF800  }
0x14: {  	_ =	sfence.sel $0x180000  }
0x15: {  	[bflag:$0x0] =	sbarrier.arrive $0xFFFF  }
0x16: {  	p0 =	sne.s32 s2, $0x0;
	_ =	strace $0x90000047  }
0x17: {  	s0 =	sadd.s32 @!p0 $0x100000, s0;
	[bflag:$0x2] =	sbarrier.arrive $0xFFFF  }
0x18: {  	[sflag:s0] =	ssyncadd.tile.s32 @!p0 $0x1;
	_ =	shalt  }
.Lfunc_end2:
_tile_overlayer_lowered:
.L_overlay_start_2:
0x19: {  	(tag) =	ssettag $0x2  }
0x1a: {  	s0 =	rddreg [dreg:$0x0];
	s2 =	stileid.u32  }
0x1b: {  	s1 =	rddreg [dreg:$0x1];
	p0 =	sne.s32 s2, $0x0  }
0x1c: {  	s3 =	rddreg [dreg:$0x2];
	[bflag:$0x3] =	sbarrier.arrive $0xFFFF;
	s2 =	simm.s32 @!p0 $0x1C01  }
0x1d: {  	[timem:s3], [sflag:s2] =	dma.local @!p0 [hbm:s0], s1  }
0x1e: {  	s0 =	simm.s32 @!p0 $0x1  }
0x1f: {  	_ =	swait.ge @!p0 [sflag:s0], s1  }
0x20: {  	s1 =	ssub.s32 @!p0 $0x0, s1;
	[sflag:s0] =	ssyncset.done @!p0 $0x0  }
0x21: {  	[sflag:s0] =	ssyncadd.s32 @!p0 s1  }
0x22: {  	[bflag:$0x3] =	sbarrier.arrive $0xFFFF  }
0x23: {  	_ =	shalt  }

</sc_bundles>
